<compile_context>
chip_gen: v7x
topology: tpu7x:2x2x1
jax: 0.10.2.dev20260603
libtpu: 0.0.44.dev20260713+nightly
codegen_flags: <defaults>
</compile_context>

<pallas_src>
import functools

import jax
import jax.numpy as jnp
from jax import lax
from jax.experimental import pallas as pl
from jax.experimental.pallas import tpu as pltpu
from jax.experimental.pallas import tpu_sc as plsc

_B = 16384
_D = 128
_NW = 32
_EPW = _B // _NW
_RCH = 128
_NQ = _EPW // _RCH
_N_TAG = 1000448

_mesh = plsc.VectorSubcoreMesh(core_axis_name="c", subcore_axis_name="s")


@functools.partial(
    pl.kernel,
    out_type=(
        jax.ShapeDtypeStruct((_B, _D), jnp.float32),
        jax.ShapeDtypeStruct((_B,), jnp.float32),
    ),
    mesh=_mesh,
    scratch_types=[
        pltpu.VMEM((_B,), jnp.int32),
        pltpu.VMEM((_B,), jnp.int32),
        pltpu.VMEM((_EPW,), jnp.int32),
        pltpu.VMEM((2, _RCH, _D), jnp.float32),
        pltpu.VMEM((_EPW,), jnp.float32),
        pltpu.VMEM_SHARED((_N_TAG,), jnp.int32),
        pltpu.SemaphoreType.DMA,
        pltpu.SemaphoreType.DMA,
        pltpu.SemaphoreType.DMA,
    ],
)
def _sc_mem(nids_h, jvals_h, new_mem, new_lu, out_mem, out_lu,
            idx_v, val_v, w_v, rows_v, lu_v, tag_sh, sem_a, sem_b, sem_c):
    c = lax.axis_index("c")
    s = lax.axis_index("s")
    wid = c * 16 + s
    base = wid * _EPW

    @pl.when(s == 0)
    def _build_tag():
        cp_i = pltpu.async_copy(nids_h, idx_v, sem_a)
        cp_v = pltpu.async_copy(jvals_h, val_v, sem_b)
        cp_i.wait()
        cp_v.wait()
        pltpu.sync_copy(val_v, tag_sh.at[idx_v])

    @pl.when(s != 0)
    def _stage_slice():
        pltpu.sync_copy(nids_h.at[pl.ds(base, _EPW)],
                        idx_v.at[pl.ds(base, _EPW)])

    plsc.subcore_barrier()

    pltpu.sync_copy(tag_sh.at[idx_v.at[pl.ds(base, _EPW)]], w_v)
    lu_cp = pltpu.async_copy(new_lu.at[w_v], lu_v, sem_c)

    sems = (sem_a, sem_b)
    pending = [None, None]
    for q in range(_NQ):
        buf = q % 2
        pending[buf] = pltpu.async_copy(
            new_mem.at[w_v.at[pl.ds(q * _RCH, _RCH)]], rows_v.at[buf],
            sems[buf])
        if q >= 1:
            prev = (q - 1) % 2
            pending[prev].wait()
            pltpu.sync_copy(rows_v.at[prev],
                            out_mem.at[pl.ds(base + (q - 1) * _RCH, _RCH)])
    last = (_NQ - 1) % 2
    pending[last].wait()
    pltpu.sync_copy(rows_v.at[last],
                    out_mem.at[pl.ds(base + (_NQ - 1) * _RCH, _RCH)])

    lu_cp.wait()
    pltpu.sync_copy(lu_v, out_lu.at[pl.ds(base, _EPW)])


def kernel(memory, last_update, nids, new_memory, new_last_update):
    del memory, last_update
    jvals = jnp.arange(_B, dtype=jnp.int32)
    return _sc_mem(nids, jvals, new_memory, new_last_update)

# --- scband reference (transcript-rebuilt; emitter-appended) ---
"""Pipeline reference for scband-memory-62775241999068 (READ-ONLY COPY).

The authoritative reference and input builder live on the scoring server;
editing this copy changes nothing except your own understanding.
"""

import jax, jax.numpy as jnp
import numpy as np

N_NODES = 1000000
DIM_MEMORY = 128
BATCH = 16384


def setup_inputs(seed: int = 0) -> dict:
    key = jax.random.key(seed)
    k1, k2, k3 = jax.random.split(key, 3)
    # Module parameters (requires_grad=False buffers in the torch module)
    memory = jnp.zeros((N_NODES, DIM_MEMORY), dtype=jnp.float32)
    last_update = jnp.zeros((N_NODES,), dtype=jnp.float32)
    # Forward args: node ids to update/read, new memory rows, new timestamps
    nids = jax.random.randint(k1, (BATCH,), 0, N_NODES, dtype=jnp.int32)
    new_memory = jax.random.normal(k2, (BATCH, DIM_MEMORY), dtype=jnp.float32)
    new_last_update = jax.random.uniform(k3, (BATCH,), dtype=jnp.float32)
    return {
        "memory": memory,
        "last_update": last_update,
        "nids": nids,
        "new_memory": new_memory,
        "new_last_update": new_last_update,
    }


def reference(memory, last_update, nids, new_memory, new_last_update):
    # set_memory: memory[nids, :] = new_memory  (scatter-overwrite)
    mem2 = memory.at[nids].set(new_memory)
    # set_last_update: last_update[nids] = new_last_update
    lu2 = last_update.at[nids].set(new_last_update)
    # get_memory / get_last_update: gather the just-written rows
    mem_rows = jnp.take(mem2, nids, axis=0)
    lu_rows = jnp.take(lu2, nids, axis=0)
    return mem_rows, lu_rows

if __name__ == "__main__":
    import jax
    _d = setup_inputs()
    print(jax.jit(kernel)(*tuple(_d.values())))

</pallas_src>

<mosaic_0001>
#map = affine_map<(d0, d1) -> (0)>
#map1 = affine_map<(d0, d1) -> (0, 0)>
module attributes {stable_mosaic.version = 14 : i64} {
  func.func @_sc_mem(%arg0: i32, %arg1: i32, %arg2: memref<16384xi32, #tpu.memory_space<hbm>>, %arg3: memref<16384xi32, #tpu.memory_space<hbm>>, %arg4: memref<16384x128xf32, #tpu.memory_space<hbm>>, %arg5: memref<16384xf32, #tpu.memory_space<hbm>>, %arg6: memref<16384x128xf32, #tpu.memory_space<hbm>>, %arg7: memref<16384xf32, #tpu.memory_space<hbm>>, %arg8: memref<16384xi32, #tpu.memory_space<vmem>>, %arg9: memref<16384xi32, #tpu.memory_space<vmem>>, %arg10: memref<512xi32, #tpu.memory_space<vmem>>, %arg11: memref<2x128x128xf32, #tpu.memory_space<vmem>>, %arg12: memref<512xf32, #tpu.memory_space<vmem>>, %arg13: memref<1000448xi32, #tpu.memory_space<vmem_shared>>, %arg14: memref<!tpu.dma_semaphore, #tpu.memory_space<semaphore_mem>>, %arg15: memref<!tpu.dma_semaphore, #tpu.memory_space<semaphore_mem>>, %arg16: memref<!tpu.dma_semaphore, #tpu.memory_space<semaphore_mem>>) attributes {dimension_semantics = [#tpu.dimension_semantics<core_parallel>, #tpu.dimension_semantics<subcore_parallel>], iteration_bounds = array<i64: 2, 16>, scalar_prefetch = 0 : i64, scratch_operands = 9 : i64, tpu.core_type = #tpu.core_type<sc_vector_subcore>, window_params = [{transform_indices = #map}, {transform_indices = #map}, {transform_indices = #map1}, {transform_indices = #map}, {transform_indices = #map1}, {transform_indices = #map}]} {
    %mul3A = arith.constant 16 : i32
    %mul3A_0 = arith.muli %arg0, %mul3A : i32
    %add3A = arith.addi %mul3A_0, %arg1 : i32
    %mul3A_1 = arith.constant 512 : i32
    %mul3A_2 = arith.muli %add3A, %mul3A_1 : i32
    %eq3A = arith.constant 0 : i32
    %eq3A_3 = arith.cmpi eq, %arg1, %eq3A : i32
    %convert_element_type3A = arith.extui %eq3A_3 : i1 to i32
    %cond3A = arith.constant 0 : i32
    %cond3A_4 = arith.cmpi ne, %convert_element_type3A, %cond3A : i32
    scf.if %cond3A_4 {
      tpu.enqueue_dma source(%arg2 : memref<16384xi32, #tpu.memory_space<hbm>>) target(%arg8 : memref<16384xi32, #tpu.memory_space<vmem>>) target_semaphore(%arg14 : memref<!tpu.dma_semaphore, #tpu.memory_space<semaphore_mem>>)
      tpu.enqueue_dma source(%arg3 : memref<16384xi32, #tpu.memory_space<hbm>>) target(%arg9 : memref<16384xi32, #tpu.memory_space<vmem>>) target_semaphore(%arg15 : memref<!tpu.dma_semaphore, #tpu.memory_space<semaphore_mem>>)
      tpu.wait_dma2 semaphore(%arg14 : memref<!tpu.dma_semaphore, #tpu.memory_space<semaphore_mem>>) src(%arg2 : memref<16384xi32, #tpu.memory_space<hbm>>) dst(%arg8 : memref<16384xi32, #tpu.memory_space<vmem>>)
      tpu.wait_dma2 semaphore(%arg15 : memref<!tpu.dma_semaphore, #tpu.memory_space<semaphore_mem>>) src(%arg3 : memref<16384xi32, #tpu.memory_space<hbm>>) dst(%arg9 : memref<16384xi32, #tpu.memory_space<vmem>>)
      "tpu.region"() ({
        %run_scoped3A_102 = tpu.sem_alloc : memref<!tpu.dma_semaphore, #tpu.memory_space<semaphore_mem>>
        %dma_start3A_103 = arith.constant 0 : i32
        %dma_start3A_104 = tpu.memref_slice %arg13[%dma_start3A_103] : memref<1000448xi32, #tpu.memory_space<vmem_shared>> -> memref<1000448xi32, #tpu.memory_space<vmem_shared>>
        tpu.enqueue_indirect_dma source(%arg9 : memref<16384xi32, #tpu.memory_space<vmem>>) target(%dma_start3A_104 : memref<1000448xi32, #tpu.memory_space<vmem_shared>>) offsets(%arg8 : memref<16384xi32, #tpu.memory_space<vmem>>) semaphore(%run_scoped3A_102 : memref<!tpu.dma_semaphore, #tpu.memory_space<semaphore_mem>>)
        %dma_wait3A_105 = arith.constant 0 : i32
        %dma_wait3A_106 = tpu.memref_slice %arg13[%dma_wait3A_105] : memref<1000448xi32, #tpu.memory_space<vmem_shared>> -> memref<1000448xi32, #tpu.memory_space<vmem_shared>>
        tpu.wait_indirect_dma semaphore(%run_scoped3A_102 : memref<!tpu.dma_semaphore, #tpu.memory_space<semaphore_mem>>) src(%arg9 : memref<16384xi32, #tpu.memory_space<vmem>>) dst(%dma_wait3A_106 : memref<1000448xi32, #tpu.memory_space<vmem_shared>>)
        tpu.yield
      }) : () -> ()
    } else {
    }
    %ne3A = arith.constant 0 : i32
    %ne3A_5 = arith.cmpi ne, %arg1, %ne3A : i32
    %convert_element_type3A_6 = arith.extui %ne3A_5 : i1 to i32
    %cond3A_7 = arith.constant 0 : i32
    %cond3A_8 = arith.cmpi ne, %convert_element_type3A_6, %cond3A_7 : i32
    scf.if %cond3A_8 {
      "tpu.region"() ({
        %run_scoped3A_102 = tpu.sem_alloc : memref<!tpu.dma_semaphore, #tpu.memory_space<semaphore_mem>>
        %dma_start3A_103 = tpu.memref_slice %arg8[%mul3A_2] : memref<16384xi32, #tpu.memory_space<vmem>> -> memref<512xi32, #tpu.memory_space<vmem>>
        %dma_start3A_104 = tpu.memref_slice %arg2[%mul3A_2] : memref<16384xi32, #tpu.memory_space<hbm>> -> memref<512xi32, #tpu.memory_space<hbm>>
        %dma_start3A_105 = tpu.memref_slice %arg8[%mul3A_2] : memref<16384xi32, #tpu.memory_space<vmem>> -> memref<512xi32, #tpu.memory_space<vmem>>
        %dma_start3A_106 = tpu.memref_slice %arg2[%mul3A_2] : memref<16384xi32, #tpu.memory_space<hbm>> -> memref<512xi32, #tpu.memory_space<hbm>>
        tpu.enqueue_dma source(%dma_start3A_106 : memref<512xi32, #tpu.memory_space<hbm>>) target(%dma_start3A_105 : memref<512xi32, #tpu.memory_space<vmem>>) target_semaphore(%run_scoped3A_102 : memref<!tpu.dma_semaphore, #tpu.memory_space<semaphore_mem>>)
        %dma_wait3A_107 = tpu.memref_slice %arg8[%mul3A_2] : memref<16384xi32, #tpu.memory_space<vmem>> -> memref<512xi32, #tpu.memory_space<vmem>>
        %dma_wait3A_108 = tpu.memref_slice %arg2[%mul3A_2] : memref<16384xi32, #tpu.memory_space<hbm>> -> memref<512xi32, #tpu.memory_space<hbm>>
        %dma_wait3A_109 = tpu.memref_slice %arg8[%mul3A_2] : memref<16384xi32, #tpu.memory_space<vmem>> -> memref<512xi32, #tpu.memory_space<vmem>>
        %dma_wait3A_110 = tpu.memref_slice %arg2[%mul3A_2] : memref<16384xi32, #tpu.memory_space<hbm>> -> memref<512xi32, #tpu.memory_space<hbm>>
        tpu.wait_dma2 semaphore(%run_scoped3A_102 : memref<!tpu.dma_semaphore, #tpu.memory_space<semaphore_mem>>) src(%dma_wait3A_110 : memref<512xi32, #tpu.memory_space<hbm>>) dst(%dma_wait3A_109 : memref<512xi32, #tpu.memory_space<vmem>>)
        tpu.yield
      }) : () -> ()
    } else {
    }
    %barrier3A = arith.constant 0 : index
    tpu.barrier barrier_id(%barrier3A)
    "tpu.region"() ({
      %run_scoped3A_102 = tpu.sem_alloc : memref<!tpu.dma_semaphore, #tpu.memory_space<semaphore_mem>>
      %dma_start3A_103 = tpu.memref_slice %arg8[%mul3A_2] : memref<16384xi32, #tpu.memory_space<vmem>> -> memref<512xi32, #tpu.memory_space<vmem>>
      %dma_start3A_104 = arith.constant 0 : i32
      %dma_start3A_105 = tpu.memref_slice %arg13[%dma_start3A_104] : memref<1000448xi32, #tpu.memory_space<vmem_shared>> -> memref<1000448xi32, #tpu.memory_space<vmem_shared>>
      tpu.enqueue_indirect_dma source(%dma_start3A_105 : memref<1000448xi32, #tpu.memory_space<vmem_shared>>) target(%arg10 : memref<512xi32, #tpu.memory_space<vmem>>) offsets(%dma_start3A_103 : memref<512xi32, #tpu.memory_space<vmem>>) semaphore(%run_scoped3A_102 : memref<!tpu.dma_semaphore, #tpu.memory_space<semaphore_mem>>)
      %dma_wait3A_106 = tpu.memref_slice %arg8[%mul3A_2] : memref<16384xi32, #tpu.memory_space<vmem>> -> memref<512xi32, #tpu.memory_space<vmem>>
      %dma_wait3A_107 = arith.constant 0 : i32
      %dma_wait3A_108 = tpu.memref_slice %arg13[%dma_wait3A_107] : memref<1000448xi32, #tpu.memory_space<vmem_shared>> -> memref<1000448xi32, #tpu.memory_space<vmem_shared>>
      tpu.wait_indirect_dma semaphore(%run_scoped3A_102 : memref<!tpu.dma_semaphore, #tpu.memory_space<semaphore_mem>>) src(%dma_wait3A_108 : memref<1000448xi32, #tpu.memory_space<vmem_shared>>) dst(%arg10 : memref<512xi32, #tpu.memory_space<vmem>>)
      tpu.yield
    }) : () -> ()
    %dma_start3A = arith.constant 0 : i32
    %dma_start3A_9 = tpu.memref_slice %arg5[%dma_start3A] : memref<16384xf32, #tpu.memory_space<hbm>> -> memref<16384xf32, #tpu.memory_space<hbm>>
    tpu.enqueue_indirect_dma source(%dma_start3A_9 : memref<16384xf32, #tpu.memory_space<hbm>>) target(%arg12 : memref<512xf32, #tpu.memory_space<vmem>>) offsets(%arg10 : memref<512xi32, #tpu.memory_space<vmem>>) semaphore(%arg16 : memref<!tpu.dma_semaphore, #tpu.memory_space<semaphore_mem>>)
    %dma_start3A_10 = arith.constant 0 : i32
    %dma_start3A_11 = arith.constant 0 : i32
    %dma_start3A_12 = arith.constant 0 : i32
    %dma_start3A_13 = tpu.memref_slice %arg11[%dma_start3A_10, %dma_start3A_11, %dma_start3A_12] : memref<2x128x128xf32, #tpu.memory_space<vmem>> -> memref<1x128x128xf32, #tpu.memory_space<vmem>>
    %dma_start3A_14 = tpu.memref_squeeze %dma_start3A_13 : memref<1x128x128xf32, #tpu.memory_space<vmem>> -> memref<128x128xf32, #tpu.memory_space<vmem>>
    %dma_start3A_15 = arith.constant 0 : i32
    %dma_start3A_16 = tpu.memref_slice %arg10[%dma_start3A_15] : memref<512xi32, #tpu.memory_space<vmem>> -> memref<128xi32, #tpu.memory_space<vmem>>
    %dma_start3A_17 = arith.constant 0 : i32
    %dma_start3A_18 = arith.constant 0 : i32
    %dma_start3A_19 = tpu.memref_slice %arg4[%dma_start3A_17, %dma_start3A_18] : memref<16384x128xf32, #tpu.memory_space<hbm>> -> memref<16384x128xf32, #tpu.memory_space<hbm>>
    tpu.enqueue_indirect_dma source(%dma_start3A_19 : memref<16384x128xf32, #tpu.memory_space<hbm>>) target(%dma_start3A_14 : memref<128x128xf32, #tpu.memory_space<vmem>>) offsets(%dma_start3A_16 : memref<128xi32, #tpu.memory_space<vmem>>) semaphore(%arg14 : memref<!tpu.dma_semaphore, #tpu.memory_space<semaphore_mem>>)
    %dma_start3A_20 = arith.constant 1 : i32
    %dma_start3A_21 = arith.constant 0 : i32
    %dma_start3A_22 = arith.constant 0 : i32
    %dma_start3A_23 = tpu.memref_slice %arg11[%dma_start3A_20, %dma_start3A_21, %dma_start3A_22] : memref<2x128x128xf32, #tpu.memory_space<vmem>> -> memref<1x128x128xf32, #tpu.memory_space<vmem>>
    %dma_start3A_24 = tpu.memref_squeeze %dma_start3A_23 : memref<1x128x128xf32, #tpu.memory_space<vmem>> -> memref<128x128xf32, #tpu.memory_space<vmem>>
    %dma_start3A_25 = arith.constant 128 : i32
    %dma_start3A_26 = tpu.memref_slice %arg10[%dma_start3A_25] : memref<512xi32, #tpu.memory_space<vmem>> -> memref<128xi32, #tpu.memory_space<vmem>>
    %dma_start3A_27 = arith.constant 0 : i32
    %dma_start3A_28 = arith.constant 0 : i32
    %dma_start3A_29 = tpu.memref_slice %arg4[%dma_start3A_27, %dma_start3A_28] : memref<16384x128xf32, #tpu.memory_space<hbm>> -> memref<16384x128xf32, #tpu.memory_space<hbm>>
    tpu.enqueue_indirect_dma source(%dma_start3A_29 : memref<16384x128xf32, #tpu.memory_space<hbm>>) target(%dma_start3A_24 : memref<128x128xf32, #tpu.memory_space<vmem>>) offsets(%dma_start3A_26 : memref<128xi32, #tpu.memory_space<vmem>>) semaphore(%arg15 : memref<!tpu.dma_semaphore, #tpu.memory_space<semaphore_mem>>)
    %dma_wait3A = arith.constant 0 : i32
    %dma_wait3A_30 = arith.constant 0 : i32
    %dma_wait3A_31 = arith.constant 0 : i32
    %dma_wait3A_32 = tpu.memref_slice %arg11[%dma_wait3A, %dma_wait3A_30, %dma_wait3A_31] : memref<2x128x128xf32, #tpu.memory_space<vmem>> -> memref<1x128x128xf32, #tpu.memory_space<vmem>>
    %dma_wait3A_33 = tpu.memref_squeeze %dma_wait3A_32 : memref<1x128x128xf32, #tpu.memory_space<vmem>> -> memref<128x128xf32, #tpu.memory_space<vmem>>
    %dma_wait3A_34 = arith.constant 0 : i32
    %dma_wait3A_35 = tpu.memref_slice %arg10[%dma_wait3A_34] : memref<512xi32, #tpu.memory_space<vmem>> -> memref<128xi32, #tpu.memory_space<vmem>>
    %dma_wait3A_36 = arith.constant 0 : i32
    %dma_wait3A_37 = arith.constant 0 : i32
    %dma_wait3A_38 = tpu.memref_slice %arg4[%dma_wait3A_36, %dma_wait3A_37] : memref<16384x128xf32, #tpu.memory_space<hbm>> -> memref<16384x128xf32, #tpu.memory_space<hbm>>
    tpu.wait_indirect_dma semaphore(%arg14 : memref<!tpu.dma_semaphore, #tpu.memory_space<semaphore_mem>>) src(%dma_wait3A_38 : memref<16384x128xf32, #tpu.memory_space<hbm>>) dst(%dma_wait3A_33 : memref<128x128xf32, #tpu.memory_space<vmem>>)
    %add3A_39 = arith.constant 0 : i32
    %add3A_40 = arith.addi %mul3A_2, %add3A_39 : i32
    %run_scoped3A = arith.constant 0 : i32
    "tpu.region"() ({
      %run_scoped3A_102 = tpu.sem_alloc : memref<!tpu.dma_semaphore, #tpu.memory_space<semaphore_mem>>
      %dma_start3A_103 = arith.constant 0 : i32
      %dma_start3A_104 = arith.constant 0 : i32
      %dma_start3A_105 = tpu.memref_slice %arg11[%run_scoped3A, %dma_start3A_103, %dma_start3A_104] : memref<2x128x128xf32, #tpu.memory_space<vmem>> -> memref<1x128x128xf32, #tpu.memory_space<vmem>>
      %dma_start3A_106 = tpu.memref_squeeze %dma_start3A_105 : memref<1x128x128xf32, #tpu.memory_space<vmem>> -> memref<128x128xf32, #tpu.memory_space<vmem>>
      %dma_start3A_107 = arith.constant 0 : i32
      %dma_start3A_108 = tpu.memref_slice %arg6[%add3A_40, %dma_start3A_107] : memref<16384x128xf32, #tpu.memory_space<hbm>> -> memref<128x128xf32, #tpu.memory_space<hbm>>
      %dma_start3A_109 = arith.constant 0 : i32
      %dma_start3A_110 = tpu.memref_slice %arg6[%add3A_40, %dma_start3A_109] : memref<16384x128xf32, #tpu.memory_space<hbm>> -> memref<128x128xf32, #tpu.memory_space<hbm>>
      %dma_start3A_111 = arith.constant 0 : i32
      %dma_start3A_112 = arith.constant 0 : i32
      %dma_start3A_113 = tpu.memref_slice %arg11[%run_scoped3A, %dma_start3A_111, %dma_start3A_112] : memref<2x128x128xf32, #tpu.memory_space<vmem>> -> memref<1x128x128xf32, #tpu.memory_space<vmem>>
      %dma_start3A_114 = tpu.memref_squeeze %dma_start3A_113 : memref<1x128x128xf32, #tpu.memory_space<vmem>> -> memref<128x128xf32, #tpu.memory_space<vmem>>
      tpu.enqueue_dma source(%dma_start3A_114 : memref<128x128xf32, #tpu.memory_space<vmem>>) target(%dma_start3A_110 : memref<128x128xf32, #tpu.memory_space<hbm>>) target_semaphore(%run_scoped3A_102 : memref<!tpu.dma_semaphore, #tpu.memory_space<semaphore_mem>>)
      %dma_wait3A_115 = arith.constant 0 : i32
      %dma_wait3A_116 = arith.constant 0 : i32
      %dma_wait3A_117 = tpu.memref_slice %arg11[%run_scoped3A, %dma_wait3A_115, %dma_wait3A_116] : memref<2x128x128xf32, #tpu.memory_space<vmem>> -> memref<1x128x128xf32, #tpu.memory_space<vmem>>
      %dma_wait3A_118 = tpu.memref_squeeze %dma_wait3A_117 : memref<1x128x128xf32, #tpu.memory_space<vmem>> -> memref<128x128xf32, #tpu.memory_space<vmem>>
      %dma_wait3A_119 = arith.constant 0 : i32
      %dma_wait3A_120 = tpu.memref_slice %arg6[%add3A_40, %dma_wait3A_119] : memref<16384x128xf32, #tpu.memory_space<hbm>> -> memref<128x128xf32, #tpu.memory_space<hbm>>
      %dma_wait3A_121 = arith.constant 0 : i32
      %dma_wait3A_122 = tpu.memref_slice %arg6[%add3A_40, %dma_wait3A_121] : memref<16384x128xf32, #tpu.memory_space<hbm>> -> memref<128x128xf32, #tpu.memory_space<hbm>>
      %dma_wait3A_123 = arith.constant 0 : i32
      %dma_wait3A_124 = arith.constant 0 : i32
      %dma_wait3A_125 = tpu.memref_slice %arg11[%run_scoped3A, %dma_wait3A_123, %dma_wait3A_124] : memref<2x128x128xf32, #tpu.memory_space<vmem>> -> memref<1x128x128xf32, #tpu.memory_space<vmem>>
      %dma_wait3A_126 = tpu.memref_squeeze %dma_wait3A_125 : memref<1x128x128xf32, #tpu.memory_space<vmem>> -> memref<128x128xf32, #tpu.memory_space<vmem>>
      tpu.wait_dma2 semaphore(%run_scoped3A_102 : memref<!tpu.dma_semaphore, #tpu.memory_space<semaphore_mem>>) src(%dma_wait3A_126 : memref<128x128xf32, #tpu.memory_space<vmem>>) dst(%dma_wait3A_122 : memref<128x128xf32, #tpu.memory_space<hbm>>)
      tpu.yield
    }) : () -> ()
    %dma_start3A_41 = arith.constant 0 : i32
    %dma_start3A_42 = arith.constant 0 : i32
    %dma_start3A_43 = arith.constant 0 : i32
    %dma_start3A_44 = tpu.memref_slice %arg11[%dma_start3A_41, %dma_start3A_42, %dma_start3A_43] : memref<2x128x128xf32, #tpu.memory_space<vmem>> -> memref<1x128x128xf32, #tpu.memory_space<vmem>>
    %dma_start3A_45 = tpu.memref_squeeze %dma_start3A_44 : memref<1x128x128xf32, #tpu.memory_space<vmem>> -> memref<128x128xf32, #tpu.memory_space<vmem>>
    %dma_start3A_46 = arith.constant 256 : i32
    %dma_start3A_47 = tpu.memref_slice %arg10[%dma_start3A_46] : memref<512xi32, #tpu.memory_space<vmem>> -> memref<128xi32, #tpu.memory_space<vmem>>
    %dma_start3A_48 = arith.constant 0 : i32
    %dma_start3A_49 = arith.constant 0 : i32
    %dma_start3A_50 = tpu.memref_slice %arg4[%dma_start3A_48, %dma_start3A_49] : memref<16384x128xf32, #tpu.memory_space<hbm>> -> memref<16384x128xf32, #tpu.memory_space<hbm>>
    tpu.enqueue_indirect_dma source(%dma_start3A_50 : memref<16384x128xf32, #tpu.memory_space<hbm>>) target(%dma_start3A_45 : memref<128x128xf32, #tpu.memory_space<vmem>>) offsets(%dma_start3A_47 : memref<128xi32, #tpu.memory_space<vmem>>) semaphore(%arg14 : memref<!tpu.dma_semaphore, #tpu.memory_space<semaphore_mem>>)
    %dma_wait3A_51 = arith.constant 1 : i32
    %dma_wait3A_52 = arith.constant 0 : i32
    %dma_wait3A_53 = arith.constant 0 : i32
    %dma_wait3A_54 = tpu.memref_slice %arg11[%dma_wait3A_51, %dma_wait3A_52, %dma_wait3A_53] : memref<2x128x128xf32, #tpu.memory_space<vmem>> -> memref<1x128x128xf32, #tpu.memory_space<vmem>>
    %dma_wait3A_55 = tpu.memref_squeeze %dma_wait3A_54 : memref<1x128x128xf32, #tpu.memory_space<vmem>> -> memref<128x128xf32, #tpu.memory_space<vmem>>
    %dma_wait3A_56 = arith.constant 128 : i32
    %dma_wait3A_57 = tpu.memref_slice %arg10[%dma_wait3A_56] : memref<512xi32, #tpu.memory_space<vmem>> -> memref<128xi32, #tpu.memory_space<vmem>>
    %dma_wait3A_58 = arith.constant 0 : i32
    %dma_wait3A_59 = arith.constant 0 : i32
    %dma_wait3A_60 = tpu.memref_slice %arg4[%dma_wait3A_58, %dma_wait3A_59] : memref<16384x128xf32, #tpu.memory_space<hbm>> -> memref<16384x128xf32, #tpu.memory_space<hbm>>
    tpu.wait_indirect_dma semaphore(%arg15 : memref<!tpu.dma_semaphore, #tpu.memory_space<semaphore_mem>>) src(%dma_wait3A_60 : memref<16384x128xf32, #tpu.memory_space<hbm>>) dst(%dma_wait3A_55 : memref<128x128xf32, #tpu.memory_space<vmem>>)
    %add3A_61 = arith.constant 128 : i32
    %add3A_62 = arith.addi %mul3A_2, %add3A_61 : i32
    %run_scoped3A_63 = arith.constant 1 : i32
    "tpu.region"() ({
      %run_scoped3A_102 = tpu.sem_alloc : memref<!tpu.dma_semaphore, #tpu.memory_space<semaphore_mem>>
      %dma_start3A_103 = arith.constant 0 : i32
      %dma_start3A_104 = arith.constant 0 : i32
      %dma_start3A_105 = tpu.memref_slice %arg11[%run_scoped3A_63, %dma_start3A_103, %dma_start3A_104] : memref<2x128x128xf32, #tpu.memory_space<vmem>> -> memref<1x128x128xf32, #tpu.memory_space<vmem>>
      %dma_start3A_106 = tpu.memref_squeeze %dma_start3A_105 : memref<1x128x128xf32, #tpu.memory_space<vmem>> -> memref<128x128xf32, #tpu.memory_space<vmem>>
      %dma_start3A_107 = arith.constant 0 : i32
      %dma_start3A_108 = tpu.memref_slice %arg6[%add3A_62, %dma_start3A_107] : memref<16384x128xf32, #tpu.memory_space<hbm>> -> memref<128x128xf32, #tpu.memory_space<hbm>>
      %dma_start3A_109 = arith.constant 0 : i32
      %dma_start3A_110 = tpu.memref_slice %arg6[%add3A_62, %dma_start3A_109] : memref<16384x128xf32, #tpu.memory_space<hbm>> -> memref<128x128xf32, #tpu.memory_space<hbm>>
      %dma_start3A_111 = arith.constant 0 : i32
      %dma_start3A_112 = arith.constant 0 : i32
      %dma_start3A_113 = tpu.memref_slice %arg11[%run_scoped3A_63, %dma_start3A_111, %dma_start3A_112] : memref<2x128x128xf32, #tpu.memory_space<vmem>> -> memref<1x128x128xf32, #tpu.memory_space<vmem>>
      %dma_start3A_114 = tpu.memref_squeeze %dma_start3A_113 : memref<1x128x128xf32, #tpu.memory_space<vmem>> -> memref<128x128xf32, #tpu.memory_space<vmem>>
      tpu.enqueue_dma source(%dma_start3A_114 : memref<128x128xf32, #tpu.memory_space<vmem>>) target(%dma_start3A_110 : memref<128x128xf32, #tpu.memory_space<hbm>>) target_semaphore(%run_scoped3A_102 : memref<!tpu.dma_semaphore, #tpu.memory_space<semaphore_mem>>)
      %dma_wait3A_115 = arith.constant 0 : i32
      %dma_wait3A_116 = arith.constant 0 : i32
      %dma_wait3A_117 = tpu.memref_slice %arg11[%run_scoped3A_63, %dma_wait3A_115, %dma_wait3A_116] : memref<2x128x128xf32, #tpu.memory_space<vmem>> -> memref<1x128x128xf32, #tpu.memory_space<vmem>>
      %dma_wait3A_118 = tpu.memref_squeeze %dma_wait3A_117 : memref<1x128x128xf32, #tpu.memory_space<vmem>> -> memref<128x128xf32, #tpu.memory_space<vmem>>
      %dma_wait3A_119 = arith.constant 0 : i32
      %dma_wait3A_120 = tpu.memref_slice %arg6[%add3A_62, %dma_wait3A_119] : memref<16384x128xf32, #tpu.memory_space<hbm>> -> memref<128x128xf32, #tpu.memory_space<hbm>>
      %dma_wait3A_121 = arith.constant 0 : i32
      %dma_wait3A_122 = tpu.memref_slice %arg6[%add3A_62, %dma_wait3A_121] : memref<16384x128xf32, #tpu.memory_space<hbm>> -> memref<128x128xf32, #tpu.memory_space<hbm>>
      %dma_wait3A_123 = arith.constant 0 : i32
      %dma_wait3A_124 = arith.constant 0 : i32
      %dma_wait3A_125 = tpu.memref_slice %arg11[%run_scoped3A_63, %dma_wait3A_123, %dma_wait3A_124] : memref<2x128x128xf32, #tpu.memory_space<vmem>> -> memref<1x128x128xf32, #tpu.memory_space<vmem>>
      %dma_wait3A_126 = tpu.memref_squeeze %dma_wait3A_125 : memref<1x128x128xf32, #tpu.memory_space<vmem>> -> memref<128x128xf32, #tpu.memory_space<vmem>>
      tpu.wait_dma2 semaphore(%run_scoped3A_102 : memref<!tpu.dma_semaphore, #tpu.memory_space<semaphore_mem>>) src(%dma_wait3A_126 : memref<128x128xf32, #tpu.memory_space<vmem>>) dst(%dma_wait3A_122 : memref<128x128xf32, #tpu.memory_space<hbm>>)
      tpu.yield
    }) : () -> ()
    %dma_start3A_64 = arith.constant 1 : i32
    %dma_start3A_65 = arith.constant 0 : i32
    %dma_start3A_66 = arith.constant 0 : i32
    %dma_start3A_67 = tpu.memref_slice %arg11[%dma_start3A_64, %dma_start3A_65, %dma_start3A_66] : memref<2x128x128xf32, #tpu.memory_space<vmem>> -> memref<1x128x128xf32, #tpu.memory_space<vmem>>
    %dma_start3A_68 = tpu.memref_squeeze %dma_start3A_67 : memref<1x128x128xf32, #tpu.memory_space<vmem>> -> memref<128x128xf32, #tpu.memory_space<vmem>>
    %dma_start3A_69 = arith.constant 384 : i32
    %dma_start3A_70 = tpu.memref_slice %arg10[%dma_start3A_69] : memref<512xi32, #tpu.memory_space<vmem>> -> memref<128xi32, #tpu.memory_space<vmem>>
    %dma_start3A_71 = arith.constant 0 : i32
    %dma_start3A_72 = arith.constant 0 : i32
    %dma_start3A_73 = tpu.memref_slice %arg4[%dma_start3A_71, %dma_start3A_72] : memref<16384x128xf32, #tpu.memory_space<hbm>> -> memref<16384x128xf32, #tpu.memory_space<hbm>>
    tpu.enqueue_indirect_dma source(%dma_start3A_73 : memref<16384x128xf32, #tpu.memory_space<hbm>>) target(%dma_start3A_68 : memref<128x128xf32, #tpu.memory_space<vmem>>) offsets(%dma_start3A_70 : memref<128xi32, #tpu.memory_space<vmem>>) semaphore(%arg15 : memref<!tpu.dma_semaphore, #tpu.memory_space<semaphore_mem>>)
    %dma_wait3A_74 = arith.constant 0 : i32
    %dma_wait3A_75 = arith.constant 0 : i32
    %dma_wait3A_76 = arith.constant 0 : i32
    %dma_wait3A_77 = tpu.memref_slice %arg11[%dma_wait3A_74, %dma_wait3A_75, %dma_wait3A_76] : memref<2x128x128xf32, #tpu.memory_space<vmem>> -> memref<1x128x128xf32, #tpu.memory_space<vmem>>
    %dma_wait3A_78 = tpu.memref_squeeze %dma_wait3A_77 : memref<1x128x128xf32, #tpu.memory_space<vmem>> -> memref<128x128xf32, #tpu.memory_space<vmem>>
    %dma_wait3A_79 = arith.constant 256 : i32
    %dma_wait3A_80 = tpu.memref_slice %arg10[%dma_wait3A_79] : memref<512xi32, #tpu.memory_space<vmem>> -> memref<128xi32, #tpu.memory_space<vmem>>
    %dma_wait3A_81 = arith.constant 0 : i32
    %dma_wait3A_82 = arith.constant 0 : i32
    %dma_wait3A_83 = tpu.memref_slice %arg4[%dma_wait3A_81, %dma_wait3A_82] : memref<16384x128xf32, #tpu.memory_space<hbm>> -> memref<16384x128xf32, #tpu.memory_space<hbm>>
    tpu.wait_indirect_dma semaphore(%arg14 : memref<!tpu.dma_semaphore, #tpu.memory_space<semaphore_mem>>) src(%dma_wait3A_83 : memref<16384x128xf32, #tpu.memory_space<hbm>>) dst(%dma_wait3A_78 : memref<128x128xf32, #tpu.memory_space<vmem>>)
    %add3A_84 = arith.constant 256 : i32
    %add3A_85 = arith.addi %mul3A_2, %add3A_84 : i32
    %run_scoped3A_86 = arith.constant 0 : i32
    "tpu.region"() ({
      %run_scoped3A_102 = tpu.sem_alloc : memref<!tpu.dma_semaphore, #tpu.memory_space<semaphore_mem>>
      %dma_start3A_103 = arith.constant 0 : i32
      %dma_start3A_104 = arith.constant 0 : i32
      %dma_start3A_105 = tpu.memref_slice %arg11[%run_scoped3A_86, %dma_start3A_103, %dma_start3A_104] : memref<2x128x128xf32, #tpu.memory_space<vmem>> -> memref<1x128x128xf32, #tpu.memory_space<vmem>>
      %dma_start3A_106 = tpu.memref_squeeze %dma_start3A_105 : memref<1x128x128xf32, #tpu.memory_space<vmem>> -> memref<128x128xf32, #tpu.memory_space<vmem>>
      %dma_start3A_107 = arith.constant 0 : i32
      %dma_start3A_108 = tpu.memref_slice %arg6[%add3A_85, %dma_start3A_107] : memref<16384x128xf32, #tpu.memory_space<hbm>> -> memref<128x128xf32, #tpu.memory_space<hbm>>
      %dma_start3A_109 = arith.constant 0 : i32
      %dma_start3A_110 = tpu.memref_slice %arg6[%add3A_85, %dma_start3A_109] : memref<16384x128xf32, #tpu.memory_space<hbm>> -> memref<128x128xf32, #tpu.memory_space<hbm>>
      %dma_start3A_111 = arith.constant 0 : i32
      %dma_start3A_112 = arith.constant 0 : i32
      %dma_start3A_113 = tpu.memref_slice %arg11[%run_scoped3A_86, %dma_start3A_111, %dma_start3A_112] : memref<2x128x128xf32, #tpu.memory_space<vmem>> -> memref<1x128x128xf32, #tpu.memory_space<vmem>>
      %dma_start3A_114 = tpu.memref_squeeze %dma_start3A_113 : memref<1x128x128xf32, #tpu.memory_space<vmem>> -> memref<128x128xf32, #tpu.memory_space<vmem>>
      tpu.enqueue_dma source(%dma_start3A_114 : memref<128x128xf32, #tpu.memory_space<vmem>>) target(%dma_start3A_110 : memref<128x128xf32, #tpu.memory_space<hbm>>) target_semaphore(%run_scoped3A_102 : memref<!tpu.dma_semaphore, #tpu.memory_space<semaphore_mem>>)
      %dma_wait3A_115 = arith.constant 0 : i32
      %dma_wait3A_116 = arith.constant 0 : i32
      %dma_wait3A_117 = tpu.memref_slice %arg11[%run_scoped3A_86, %dma_wait3A_115, %dma_wait3A_116] : memref<2x128x128xf32, #tpu.memory_space<vmem>> -> memref<1x128x128xf32, #tpu.memory_space<vmem>>
      %dma_wait3A_118 = tpu.memref_squeeze %dma_wait3A_117 : memref<1x128x128xf32, #tpu.memory_space<vmem>> -> memref<128x128xf32, #tpu.memory_space<vmem>>
      %dma_wait3A_119 = arith.constant 0 : i32
      %dma_wait3A_120 = tpu.memref_slice %arg6[%add3A_85, %dma_wait3A_119] : memref<16384x128xf32, #tpu.memory_space<hbm>> -> memref<128x128xf32, #tpu.memory_space<hbm>>
      %dma_wait3A_121 = arith.constant 0 : i32
      %dma_wait3A_122 = tpu.memref_slice %arg6[%add3A_85, %dma_wait3A_121] : memref<16384x128xf32, #tpu.memory_space<hbm>> -> memref<128x128xf32, #tpu.memory_space<hbm>>
      %dma_wait3A_123 = arith.constant 0 : i32
      %dma_wait3A_124 = arith.constant 0 : i32
      %dma_wait3A_125 = tpu.memref_slice %arg11[%run_scoped3A_86, %dma_wait3A_123, %dma_wait3A_124] : memref<2x128x128xf32, #tpu.memory_space<vmem>> -> memref<1x128x128xf32, #tpu.memory_space<vmem>>
      %dma_wait3A_126 = tpu.memref_squeeze %dma_wait3A_125 : memref<1x128x128xf32, #tpu.memory_space<vmem>> -> memref<128x128xf32, #tpu.memory_space<vmem>>
      tpu.wait_dma2 semaphore(%run_scoped3A_102 : memref<!tpu.dma_semaphore, #tpu.memory_space<semaphore_mem>>) src(%dma_wait3A_126 : memref<128x128xf32, #tpu.memory_space<vmem>>) dst(%dma_wait3A_122 : memref<128x128xf32, #tpu.memory_space<hbm>>)
      tpu.yield
    }) : () -> ()
    %dma_wait3A_87 = arith.constant 1 : i32
    %dma_wait3A_88 = arith.constant 0 : i32
    %dma_wait3A_89 = arith.constant 0 : i32
    %dma_wait3A_90 = tpu.memref_slice %arg11[%dma_wait3A_87, %dma_wait3A_88, %dma_wait3A_89] : memref<2x128x128xf32, #tpu.memory_space<vmem>> -> memref<1x128x128xf32, #tpu.memory_space<vmem>>
    %dma_wait3A_91 = tpu.memref_squeeze %dma_wait3A_90 : memref<1x128x128xf32, #tpu.memory_space<vmem>> -> memref<128x128xf32, #tpu.memory_space<vmem>>
    %dma_wait3A_92 = arith.constant 384 : i32
    %dma_wait3A_93 = tpu.memref_slice %arg10[%dma_wait3A_92] : memref<512xi32, #tpu.memory_space<vmem>> -> memref<128xi32, #tpu.memory_space<vmem>>
    %dma_wait3A_94 = arith.constant 0 : i32
    %dma_wait3A_95 = arith.constant 0 : i32
    %dma_wait3A_96 = tpu.memref_slice %arg4[%dma_wait3A_94, %dma_wait3A_95] : memref<16384x128xf32, #tpu.memory_space<hbm>> -> memref<16384x128xf32, #tpu.memory_space<hbm>>
    tpu.wait_indirect_dma semaphore(%arg15 : memref<!tpu.dma_semaphore, #tpu.memory_space<semaphore_mem>>) src(%dma_wait3A_96 : memref<16384x128xf32, #tpu.memory_space<hbm>>) dst(%dma_wait3A_91 : memref<128x128xf32, #tpu.memory_space<vmem>>)
    %add3A_97 = arith.constant 384 : i32
    %add3A_98 = arith.addi %mul3A_2, %add3A_97 : i32
    %run_scoped3A_99 = arith.constant 1 : i32
    "tpu.region"() ({
      %run_scoped3A_102 = tpu.sem_alloc : memref<!tpu.dma_semaphore, #tpu.memory_space<semaphore_mem>>
      %dma_start3A_103 = arith.constant 0 : i32
      %dma_start3A_104 = arith.constant 0 : i32
      %dma_start3A_105 = tpu.memref_slice %arg11[%run_scoped3A_99, %dma_start3A_103, %dma_start3A_104] : memref<2x128x128xf32, #tpu.memory_space<vmem>> -> memref<1x128x128xf32, #tpu.memory_space<vmem>>
      %dma_start3A_106 = tpu.memref_squeeze %dma_start3A_105 : memref<1x128x128xf32, #tpu.memory_space<vmem>> -> memref<128x128xf32, #tpu.memory_space<vmem>>
      %dma_start3A_107 = arith.constant 0 : i32
      %dma_start3A_108 = tpu.memref_slice %arg6[%add3A_98, %dma_start3A_107] : memref<16384x128xf32, #tpu.memory_space<hbm>> -> memref<128x128xf32, #tpu.memory_space<hbm>>
      %dma_start3A_109 = arith.constant 0 : i32
      %dma_start3A_110 = tpu.memref_slice %arg6[%add3A_98, %dma_start3A_109] : memref<16384x128xf32, #tpu.memory_space<hbm>> -> memref<128x128xf32, #tpu.memory_space<hbm>>
      %dma_start3A_111 = arith.constant 0 : i32
      %dma_start3A_112 = arith.constant 0 : i32
      %dma_start3A_113 = tpu.memref_slice %arg11[%run_scoped3A_99, %dma_start3A_111, %dma_start3A_112] : memref<2x128x128xf32, #tpu.memory_space<vmem>> -> memref<1x128x128xf32, #tpu.memory_space<vmem>>
      %dma_start3A_114 = tpu.memref_squeeze %dma_start3A_113 : memref<1x128x128xf32, #tpu.memory_space<vmem>> -> memref<128x128xf32, #tpu.memory_space<vmem>>
      tpu.enqueue_dma source(%dma_start3A_114 : memref<128x128xf32, #tpu.memory_space<vmem>>) target(%dma_start3A_110 : memref<128x128xf32, #tpu.memory_space<hbm>>) target_semaphore(%run_scoped3A_102 : memref<!tpu.dma_semaphore, #tpu.memory_space<semaphore_mem>>)
      %dma_wait3A_115 = arith.constant 0 : i32
      %dma_wait3A_116 = arith.constant 0 : i32
      %dma_wait3A_117 = tpu.memref_slice %arg11[%run_scoped3A_99, %dma_wait3A_115, %dma_wait3A_116] : memref<2x128x128xf32, #tpu.memory_space<vmem>> -> memref<1x128x128xf32, #tpu.memory_space<vmem>>
      %dma_wait3A_118 = tpu.memref_squeeze %dma_wait3A_117 : memref<1x128x128xf32, #tpu.memory_space<vmem>> -> memref<128x128xf32, #tpu.memory_space<vmem>>
      %dma_wait3A_119 = arith.constant 0 : i32
      %dma_wait3A_120 = tpu.memref_slice %arg6[%add3A_98, %dma_wait3A_119] : memref<16384x128xf32, #tpu.memory_space<hbm>> -> memref<128x128xf32, #tpu.memory_space<hbm>>
      %dma_wait3A_121 = arith.constant 0 : i32
      %dma_wait3A_122 = tpu.memref_slice %arg6[%add3A_98, %dma_wait3A_121] : memref<16384x128xf32, #tpu.memory_space<hbm>> -> memref<128x128xf32, #tpu.memory_space<hbm>>
      %dma_wait3A_123 = arith.constant 0 : i32
      %dma_wait3A_124 = arith.constant 0 : i32
      %dma_wait3A_125 = tpu.memref_slice %arg11[%run_scoped3A_99, %dma_wait3A_123, %dma_wait3A_124] : memref<2x128x128xf32, #tpu.memory_space<vmem>> -> memref<1x128x128xf32, #tpu.memory_space<vmem>>
      %dma_wait3A_126 = tpu.memref_squeeze %dma_wait3A_125 : memref<1x128x128xf32, #tpu.memory_space<vmem>> -> memref<128x128xf32, #tpu.memory_space<vmem>>
      tpu.wait_dma2 semaphore(%run_scoped3A_102 : memref<!tpu.dma_semaphore, #tpu.memory_space<semaphore_mem>>) src(%dma_wait3A_126 : memref<128x128xf32, #tpu.memory_space<vmem>>) dst(%dma_wait3A_122 : memref<128x128xf32, #tpu.memory_space<hbm>>)
      tpu.yield
    }) : () -> ()
    %dma_wait3A_100 = arith.constant 0 : i32
    %dma_wait3A_101 = tpu.memref_slice %arg5[%dma_wait3A_100] : memref<16384xf32, #tpu.memory_space<hbm>> -> memref<16384xf32, #tpu.memory_space<hbm>>
    tpu.wait_indirect_dma semaphore(%arg16 : memref<!tpu.dma_semaphore, #tpu.memory_space<semaphore_mem>>) src(%dma_wait3A_101 : memref<16384xf32, #tpu.memory_space<hbm>>) dst(%arg12 : memref<512xf32, #tpu.memory_space<vmem>>)
    "tpu.region"() ({
      %run_scoped3A_102 = tpu.sem_alloc : memref<!tpu.dma_semaphore, #tpu.memory_space<semaphore_mem>>
      %dma_start3A_103 = tpu.memref_slice %arg7[%mul3A_2] : memref<16384xf32, #tpu.memory_space<hbm>> -> memref<512xf32, #tpu.memory_space<hbm>>
      %dma_start3A_104 = tpu.memref_slice %arg7[%mul3A_2] : memref<16384xf32, #tpu.memory_space<hbm>> -> memref<512xf32, #tpu.memory_space<hbm>>
      tpu.enqueue_dma source(%arg12 : memref<512xf32, #tpu.memory_space<vmem>>) target(%dma_start3A_104 : memref<512xf32, #tpu.memory_space<hbm>>) target_semaphore(%run_scoped3A_102 : memref<!tpu.dma_semaphore, #tpu.memory_space<semaphore_mem>>)
      %dma_wait3A_105 = tpu.memref_slice %arg7[%mul3A_2] : memref<16384xf32, #tpu.memory_space<hbm>> -> memref<512xf32, #tpu.memory_space<hbm>>
      %dma_wait3A_106 = tpu.memref_slice %arg7[%mul3A_2] : memref<16384xf32, #tpu.memory_space<hbm>> -> memref<512xf32, #tpu.memory_space<hbm>>
      tpu.wait_dma2 semaphore(%run_scoped3A_102 : memref<!tpu.dma_semaphore, #tpu.memory_space<semaphore_mem>>) src(%arg12 : memref<512xf32, #tpu.memory_space<vmem>>) dst(%dma_wait3A_106 : memref<512xf32, #tpu.memory_space<hbm>>)
      tpu.yield
    }) : () -> ()
    return
  }
}

</mosaic_0001>

<sc_bundles>
// kernel: kernel.3.cloned.1.call-start
scs
__scs_entry_jumppad:
0x0: {  	(pc) =	sbr.rel $0x88, $3  }
0x1: {  	(tag) =	ssettag $0x0;
	lr =	simm.s32 $0x1  }
0x2: {  	[smem:$0x3F9E] =	sst lr;
	_ =	strace $0xD0000000  }
0x3: {  	_ = 	snop  }
0x4: {  	_ = 	snop  }
0x5: {  	_ = 	snop  }
0x6: {  	_ = 	snop  }
0x7: {  	_ = 	snop  }
__scs_overlays_trampoline_lowered:
0x8: {  	[smem:$0x3FAD] =	sst s0  }
0x9: {  	[smem:$0x3FAE] =	sst s1  }
0xa: {  	[smem:$0x3FAF] =	sst s2  }
0xb: {  	[smem:$0x3FB0] =	sst s3  }
0xc: {  	[smem:$0x3FB1] =	sst s4  }
0xd: {  	[smem:$0x3FB2] =	sst s5  }
0xe: {  	[smem:$0x3FB3] =	sst s6  }
0xf: {  	[smem:$0x3FB4] =	sst s7  }
0x10: {  	[smem:$0x3FB5] =	sst s8  }
0x11: {  	[smem:$0x3FB6] =	sst s9;
	s0 =	simm.s32 @!p0 $0x0  }
0x12: {  	s1 =	sld [smem:$0x3F9C];
	s0 =	simm.s32 @p0 $0x1  }
0x13: {  	[smem:$0x3FB7] =	sst s0;
	s0 =	simm.s32 @!p1 $0x0  }
0x14: {  	s2 =	sld [smem:$0x3F9B];
	s0 =	simm.s32 @p1 $0x1  }
0x15: {  	[smem:$0x3FB8] =	sst s0;
	s0 =	simm.s32 @!p2 $0x0  }
0x16: {  	s3 =	sld [smem:$0x3FDB];
	s0 =	simm.s32 @p2 $0x1  }
0x17: {  	s4 =	simm.s32 $0x1BF5;
	[smem:$0x3FBA] =	sst s0  }
0x18: {  	s0 =	sld [smem:$0x3F9D];
	_ =	swait.ge [sflag:s4], $0x0  }
0x19: {  	s7 =	sld [smem:$0x3F9E]  }
0x1a: {  	s8 =	sadd.s32 $0xFFFFE003, lr  }
0x1b: {  	s9 =	sadd.s32 $0xFFFFFEF7, lr;
	s5 =	simm.s32 $0xFFFFFFFF;
	p2 =	slt.u32 s8, $0xFFFFF086  }
0x1c: {  	p1 =	slt.u32 s9, $0xF7A;
	s5 =	simm.s32 @!p2 $0x0  }
0x1d: {  	s5 =	simm.s32 @p1 $0x1;
	p0 =	seq.s32 s7, s2  }
0x1e: {  	s7 =	smul.u32 @!p0 $0xF7A, s2;
	p2 =	seq.s32 @!p0 s5, $0x0  }
0x1f: {  	s9 =	smul.u32 $0xF7A, s1;
	s8 =	simm.s32 @!p0 $0x1BF5;
	p2 =	por !p2, p0  }
0x20: {  	[sflag:s8] =	ssyncset.s32 @!p0 $0xFFFFF086;
	s6 =	sadd.s32 @!p0 s3, s7;
	s7 =	simm.s32 @!p0 $0x108  }
0x21: {  	s3 =	sadd.s32 s3, s9;
	s6 =	sadd.s32 @!p0 $0x88, s6;
	s7 =	simm.s32 @p2 $0x1082  }
0x22: {  	[simem:s7], [sflag:s8] =	dma.local @!p0 [hbm:s6], $0xF7A  }
0x23: {  	s9 =	sor.u32 $0xD0000000, s2;
	s6 =	simm.s32 $0x108;
	_ =	swait.ge @!p0 [sflag:s8], $0x0  }
0x24: {  	s3 =	sadd.s32 $0x88, s3;
	s6 =	simm.s32 @!p1 $0x1082;
	[sflag:s4] =	ssyncset.s32 $0xFFFFF086  }
0x25: {  	[simem:s6], [sflag:s4] =	dma.local [hbm:s3], $0xF7A  }
0x26: {  	[smem:$0x3F9E] =	sst s1;
	(tag) =	ssettag s2;
	_ =	strace s9  }
0x27: {  	s1 =	sld [smem:$0x3FAE]  }
0x28: {  	s2 =	sld [smem:$0x3FAF]  }
0x29: {  	s4 =	sld [smem:$0x3FB1]  }
0x2a: {  	p0 =	seq.s32 s5, $0x0;
	s5 =	sld [smem:$0x3FB2]  }
0x2b: {  	s6 =	sld [smem:$0x3FB3]  }
0x2c: {  	s7 =	sld [smem:$0x3FB4]  }
0x2d: {  	s3 =	simm.s32 $0x108;
	s8 =	sld [smem:$0x3FB5]  }
0x2e: {  	s3 =	simm.s32 @!p0 $0x1082;
	s9 =	sld [smem:$0x3FB6]  }
0x2f: {  	lr =	sadd.s32 s0, s3;
	s0 =	sld [smem:$0x3FAD]  }
0x30: {  	s3 =	sld [smem:$0x3FB0]  }
0x31: {  	[smem:$0x3FB9] =	sst s10  }
0x32: {  	s10 =	sld [smem:$0x3FB7];
	_ =	sdelay $0x3  }
0x33: {  	p0 =	seq.s32 s10, $0x1;
	s10 =	sld [smem:$0x3FB9];
	_ =	sdelay $0x3  }
0x34: {  	[smem:$0x3FB9] =	sst s10  }
0x35: {  	s10 =	sld [smem:$0x3FB8];
	_ =	sdelay $0x3  }
0x36: {  	p1 =	seq.s32 s10, $0x1;
	s10 =	sld [smem:$0x3FB9];
	_ =	sdelay $0x3  }
0x37: {  	[smem:$0x3FB9] =	sst s10  }
0x38: {  	s10 =	sld [smem:$0x3FBA]  }
0x39: {  	_ = 	snop;
	(pc) =	sbr.ind lr, $3  }
0x3a: {  	_ = 	snop  }
0x3b: {  	_ = 	snop  }
0x3c: {  	p2 =	seq.s32 s10, $0x1;
	s10 =	sld [smem:$0x3FB9]  }
0x3d: {  	_ =	shalt  }
0x3e: {  	_ =	shalt  }
0x3f: {  	_ =	shalt  }
0x40: {  	_ =	shalt  }
0x41: {  	_ =	shalt  }
0x42: {  	_ =	shalt  }
0x43: {  	_ =	shalt  }
0x44: {  	_ =	shalt  }
0x45: {  	_ =	shalt  }
0x46: {  	_ =	shalt  }
0x47: {  	_ =	shalt  }
0x48: {  	_ =	shalt  }
0x49: {  	_ =	shalt  }
0x4a: {  	_ =	shalt  }
0x4b: {  	_ =	shalt  }
0x4c: {  	_ =	shalt  }
0x4d: {  	_ =	shalt  }
0x4e: {  	_ =	shalt  }
0x4f: {  	_ =	shalt  }
0x50: {  	_ =	shalt  }
0x51: {  	_ =	shalt  }
0x52: {  	_ =	shalt  }
0x53: {  	_ =	shalt  }
0x54: {  	_ =	shalt  }
0x55: {  	_ =	shalt  }
0x56: {  	_ =	shalt  }
0x57: {  	_ =	shalt  }
0x58: {  	_ =	shalt  }
0x59: {  	_ =	shalt  }
0x5a: {  	_ =	shalt  }
0x5b: {  	_ =	shalt  }
0x5c: {  	_ =	shalt  }
0x5d: {  	_ =	shalt  }
0x5e: {  	_ =	shalt  }
0x5f: {  	_ =	shalt  }
0x60: {  	_ =	shalt  }
0x61: {  	_ =	shalt  }
0x62: {  	_ =	shalt  }
0x63: {  	_ =	shalt  }
0x64: {  	_ =	shalt  }
0x65: {  	_ =	shalt  }
0x66: {  	_ =	shalt  }
0x67: {  	_ =	shalt  }
0x68: {  	_ =	shalt  }
0x69: {  	_ =	shalt  }
0x6a: {  	_ =	shalt  }
0x6b: {  	_ =	shalt  }
0x6c: {  	_ =	shalt  }
0x6d: {  	_ =	shalt  }
0x6e: {  	_ =	shalt  }
0x6f: {  	_ =	shalt  }
0x70: {  	_ =	shalt  }
0x71: {  	_ =	shalt  }
0x72: {  	_ =	shalt  }
0x73: {  	_ =	shalt  }
0x74: {  	_ =	shalt  }
0x75: {  	_ =	shalt  }
0x76: {  	_ =	shalt  }
0x77: {  	_ =	shalt  }
0x78: {  	_ =	shalt  }
0x79: {  	_ =	shalt  }
0x7a: {  	_ =	shalt  }
0x7b: {  	_ =	shalt  }
0x7c: {  	_ =	shalt  }
0x7d: {  	_ =	shalt  }
0x7e: {  	_ =	shalt  }
0x7f: {  	_ =	shalt  }
0x80: {  	_ =	shalt  }
0x81: {  	_ =	shalt  }
0x82: {  	_ =	shalt  }
0x83: {  	_ =	shalt  }
0x84: {  	_ =	shalt  }
0x85: {  	_ =	shalt  }
0x86: {  	_ =	shalt  }
0x87: {  	_ =	shalt  }
.Lfunc_end0:
.L_simem_size_0:
called_computation_lowered:
.L_overlay_start_0:
0x88: {  	s2 =	sld [smem:$0x3FD9]  }
0x89: {  	s3 =	sld [smem:$0x3FFE];
	_ =	sdelay $0x1  }
0x8a: {  	s1 =	srdreg.scid  }
0x8b: {  	s0 =	sand.u32 $0x1, s1  }
0x8c: {  	s14 =	sshll.u32 s0, $0xA;
	s2 =	sadd.s32 s3, s2  }
0x8d: {  	s2 =	sadd.s32 s2, s14  }
0x8e: {  	[smem:$0x3FC5] =	sst s2  }
0x8f: {  	_ = 	snop  }
0x90: {  	s2 =	sld [smem:$0x3FD0]  }
0x91: {  	s15 =	sld [smem:$0x3FC9]  }
0x92: {  	s4 =	sld [smem:$0x3FC8]  }
0x93: {  	s6 =	simm.s32 $0xA;
	s7 =	simm.s32 $0x10;
	s5 =	sld [smem:$0x3FC7]  }
0x94: {  	[smem:s7], [sflag:s6] =	dma.local [hbm:s2], $0x1  }
0x95: {  	_ =	swait.eq [sflag:s6], $0x1  }
0x96: {  	[sflag:s6] =	ssyncset.done $0x0  }
0x97: {  	s16 =	sld [smem:$0x10];
	[sflag:s6] =	ssyncadd.s32 $0xFFFFFFFF  }
0x98: {  	s17 =	sld [smem:$0x11];
	(tm) =	ssettm $0x1  }
0x99: {  	s18 =	sld [smem:$0x3FFB];
	_ =	sdelay $0x3  }
0x9a: {  	_ =	strace s18  }
0x9b: {  	s7 =	sld [smem:$0x3FFC];
	_ =	sdelay $0x3  }
0x9c: {  	_ =	strace s7  }
0x9d: {  	s7 =	sld [smem:$0x3FFD];
	_ =	sdelay $0x3  }
0x9e: {  	_ =	strace s7  }
0x9f: {  	_ =	strace $0x8FFFFFFF  }
0xa0: {  	s19 =	sld [smem:$0x3FDB];
	_ =	sdelay $0x1  }
0xa1: {  	s8 =	simm.s32 $_scs_section_size  }
0xa2: {  	s9 =	simm.s32 $_size__tile_overlayer_lowered;
	s10 =	simm.s32 $_tile_overlayer_lowered  }
0xa3: {  	s22 =	simm.s32 $0x1BFF;
	s21 =	sshll.u32 s10, $0x1;
	s7 =	sadd.s32 s8, s19  }
0xa4: {  	s11 =	simm.s32 $0x0;
	s20 =	sshll.u32 s9, $0x1;
	s9 =	sadd.s32 s21, s7  }
0xa5: {  	[timem:s11], [sflag:s22] =	dma.local [hbm:s9], s20  }
0xa6: {  	_ =	swait.ge [sflag:s22], s20  }
0xa7: {  	s8 =	ssub.s32 $0x0, s20;
	[sflag:s22] =	ssyncset.done $0x0  }
0xa8: {  	[sflag:s22] =	ssyncadd.s32 s8;
	_ =	sdelay $0x1  }
0xa9: {  	s23 =	simm.s32 $0x1B8B  }
0xaa: {  	_ =	swait.ge [sflag:s23], $0x1  }
0xab: {  	[sflag:s23] =	ssyncset.done $0x0  }
0xac: {  	s25 =	simm.s32 $0x1B8E;
	s24 =	sld [smem:$0x3FFE];
	[sflag:s23] =	ssyncadd.s32 $0xFFFFFFFF  }
0xad: {  	s26 =	simm.s32 $execute0_lowered;
	[smem:$0x3FD2] =	sst s25  }
0xae: {  	s9 =	sshll.u32 s26, $0x1;
	_ =	strace $0x80000046;
	[dreg:$0x1] =	wrdreg $0xFFFFFFFF  }
0xaf: {  	s28 =	simm.s32 $_size_execute0_lowered;
	s7 =	sadd.s32 s7, s9;
	[dreg:$0x0] =	wrdreg $0x0  }
0xb0: {  	s9 =	sshll.u32 s28, $0x1;
	[dreg:$0x2] =	wrdreg s7  }
0xb1: {  	[dreg:$0x3] =	wrdreg s9  }
0xb2: {  	[dreg:$0x4] =	wrdreg $0xC0  }
0xb3: {  	_ =	task [dreg:s11], $0x5FFFF  }
0xb4: {  	[dreg:$0x1] =	wrdreg $0xFFFFFFFF  }
0xb5: {  	[dreg:$0x0] =	wrdreg $0x60  }
0xb6: {  	[dreg:$0x2] =	wrdreg s15  }
0xb7: {  	[dreg:$0x3] =	wrdreg s24  }
0xb8: {  	[dreg:$0x4] =	wrdreg s4  }
0xb9: {  	[dreg:$0x5] =	wrdreg s5  }
0xba: {  	[dreg:$0x6] =	wrdreg s16  }
0xbb: {  	[dreg:$0x7] =	wrdreg s17  }
0xbc: {  	[dreg:$0x8] =	wrdreg $0x104000  }
0xbd: {  	[dreg:$0x9] =	wrdreg $0x9  }
0xbe: {  	_ =	task.clear_ibuf [dreg:s11], $0xAFFFF;
	_ =	strace $0x90000046  }
0xbf: {  	s29 =	simm.s32 $0x9;
	_ =	strace $0x80000048  }
0xc0: {  	_ =	swait.ge [sflag:s29], $0x1  }
0xc1: {  	[sflag:s29] =	ssyncadd.s32 $0xFFFFFFFF  }
0xc2: {  	_ =	strace $0x90000048  }
0xc3: {  	_ =	sfence  }
0xc4: {  	s30 =	sld [smem:$0x0];
	_ =	sdelay $0x2  }
0xc5: {  	s31 =	sshll.u32 s1, $0xD;
	s1 =	sshrl.u32 s1, $0x2  }
0xc6: {  	s3 =	sand.u32 $0x4000, s31;
	s1 =	sadd.s32 s1, s30  }
0xc7: {  	s0 =	sor.u32 s3, s0;
	s1 =	sshll.u32 s1, $0x11  }
0xc8: {  	s0 =	sor.u32 s1, s0  }
0xc9: {  	s0 =	sadd.s32 $0x8F2B, s0  }
0xca: {  	[sflag:s0] =	ssyncadd.remote.s32 $0x1  }
0xcb: {  	_ =	sfence.sel $0xFFFF  }
0xcc: {  	[dreg:$0x0] =	wrdreg $0xFFFFFFFF;
	(pc) =	sbr.abs _section_cstart, $3  }
0xcd: {  	[dreg:$0x1] =	wrdreg $0xFFFFFFFF  }
0xce: {  	_ =	task.clear_ibuf [dreg:s11], $0x2FFFF;
	_ =	strace $0x9FFFFFFF  }
0xcf: {  	(tm) =	ssettm $0x7FFFFFFF  }
tec
execute0_lowered:
.L_overlay_start_1:
0x0: {  	(tag) =	ssettag $0x1  }
0x1: {  	s0 =	rddreg [dreg:$0x0]  }
0x2: {  	s6 =	rddreg [dreg:$0x1]  }
0x3: {  	s1 =	rddreg [dreg:$0x2]  }
0x4: {  	s2 =	rddreg [dreg:$0x3];
	s3 =	srdreg.scid  }
0x5: {  	s22 =	rddreg [dreg:$0x4];
	s7 =	stileid.u32;
	s30 =	sand.u32 $0x1, s3  }
0x6: {  	[dreg:$0x9] =	wrdreg s2;
	s8 =	sshll.u32 s7, $0x9;
	s5 =	sshll.u32 s30, $0xD  }
0x7: {  	s4 =	simm.s32 $0x0;
	s3 =	rddreg [dreg:$0x6];
	s5 =	sor.u32 s8, s5  }
0x8: {  	[smem:$0x7FF] =	sst s4;
	s26 =	sshrl.u32 s5, $0x3  }
0x9: {  	[dreg:$0xb] =	wrdreg s26;
	s2 =	sadd.s32 s0, s26  }
0xa: {  	s6 =	sadd.s32 $0x600, s6;
	_ =	strace $0x80000047;
	[dreg:$0xa] =	wrdreg s2  }
0xb: {  	p0 =	sne.s32 s7, $0x0;
	[dreg:$0x8] =	wrdreg s6  }
0xc: {  	s7 =	simm.s32 @p0 $0x4;
	s2 =	simm.s32 @p0 $0x0;
	s8 =	rddreg [dreg:$0xa]  }
0xd: {  	[tilespmem:s5], [sflag:$0x4] =	stream.linear.gather @p0 [hbm4b:s8+s2], $0x200, $0x38;
	[tilespmem:$0x1F840] =	vst v63  }
0xe: {  	_ =	swait.ge @p0 [sflag:s7], $0x200  }
0xf: {  	[sflag:s7] =	ssyncset.done @p0 $0x0  }
0x10: {  	s8 =	simm.s32 @!p0 $0x0;
	[sflag:s7] =	ssyncadd.s32 @p0 $0xFFFFFE00  }
0x11: {  	[tilespmem:s8], [sflag:$0x1] =	stream.linear.gather @!p0 [hbm4b:s0+s8], $0x4000, $0x38;
	[tilespmem:$0x1F840] =	vst v63  }
0x12: {  	s9 =	simm.s32 @!p0 $0x4000;
	s10 =	simm.s32 @!p0 $0x1;
	s11 =	rddreg [dreg:$0x8]  }
0x13: {  	[tilespmem:s9], [sflag:$0x2] =	stream.linear.gather @!p0 [hbm4b:s11+s8], $0x4000, $0x38;
	[tilespmem:$0x1F840] =	vst v63  }
0x14: {  	_ =	swait.ge @!p0 [sflag:s10], $0x4000  }
0x15: {  	[sflag:s10] =	ssyncset.done @!p0 $0x0  }
0x16: {  	s11 =	simm.s32 @!p0 $0x2;
	[sflag:s10] =	ssyncadd.s32 @!p0 $0xFFFFC000  }
0x17: {  	_ =	swait.ge @!p0 [sflag:s11], $0x4000  }
0x18: {  	[sflag:s11] =	ssyncset.done @!p0 $0x0  }
0x19: {  	s12 =	simm.s32 @!p0 $0x4;
	[sflag:s11] =	ssyncadd.s32 @!p0 $0xFFFFC000  }
0x1a: {  	[spmem:s3] =	stream.indirect.scatter @!p0 [tilespmem:s9], [sflag:$0x4], $0x1, s8, s9, $0xb8;
	[tilespmem:$0x1F840] =	vst v63  }
0x1b: {  	_ =	swait.ge @!p0 [sflag:s12], $0x4000  }
0x1c: {  	[sflag:s12] =	ssyncset.done @!p0 $0x0  }
0x1d: {  	s13 =	simm.s32 $0x200;
	[sflag:s12] =	ssyncadd.s32 @!p0 $0xFFFFC000  }
0x1e: {  	s15 =	simm.s32 $0x8000;
	s14 =	simm.s32 $0x4;
	[bflag:$0x0] =	sbarrier.arrive $0xFFFF  }
0x1f: {  	[tilespmem:s15], [sflag:$0x4] =	stream.indirect.gather [spmem:s3], $0x1, s5, s13, $0xb8;
	[tilespmem:$0x1F840] =	vst v63  }
0x20: {  	_ =	swait.ge [sflag:s14], $0x200  }
0x21: {  	[sflag:s14] =	ssyncset.done $0x0  }
0x22: {  	s16 =	simm.s32 $0x10200;
	s17 =	rddreg [dreg:$0x9];
	[sflag:s14] =	ssyncadd.s32 $0xFFFFFE00  }
0x23: {  	[tilespmem:s16], [sflag:$0x3] =	stream.indirect.gather [hbm4b:s17+s13], $0x1, s15, s13, $0xb8;
	[tilespmem:$0x1F840] =	vst v63  }
0x24: {  	s18 =	simm.s32 $0x8200;
	s17 =	simm.s32 $0x80  }
0x25: {  	[tilespmem:s18], [sflag:$0x1] =	stream.indirect.gather [hbm4b:s1+s17], $0x80, s15, s17, $0xb8;
	[tilespmem:$0x1F840] =	vst v63  }
0x26: {  	s19 =	simm.s32 $0x8080;
	s20 =	simm.s32 $0xC200;
	s21 =	simm.s32 $0x1  }
0x27: {  	[tilespmem:s20], [sflag:$0x2] =	stream.indirect.gather [hbm4b:s1+s17], $0x80, s19, s17, $0xb8;
	[tilespmem:$0x1F840] =	vst v63  }
0x28: {  	_ =	swait.ge [sflag:s21], $0x4000  }
0x29: {  	s23 =	sshll.u32 s5, $0x4;
	[sflag:s21] =	ssyncset.done $0x0  }
0x2a: {  	s22 =	sadd.s32 s22, s23;
	[sflag:s21] =	ssyncadd.s32 $0xFFFFC000  }
0x2b: {  	[hbm4b:s22+s4] =	stream.linear.scatter [tilespmem:s18], [sflag:$0x4], $0x4000, $0x38;
	[tilespmem:$0x1F840] =	vst v63  }
0x2c: {  	_ =	swait.ge [sflag:s14], $0x4000  }
0x2d: {  	[sflag:s14] =	ssyncset.done $0x0  }
0x2e: {  	s24 =	simm.s32 $0x2;
	s23 =	simm.s32 $0x8100;
	[sflag:s14] =	ssyncadd.s32 $0xFFFFC000  }
0x2f: {  	[tilespmem:s18], [sflag:$0x1] =	stream.indirect.gather [hbm4b:s1+s17], $0x80, s23, s17, $0xb8;
	[tilespmem:$0x1F840] =	vst v63  }
0x30: {  	_ =	swait.ge [sflag:s24], $0x4000  }
0x31: {  	[sflag:s24] =	ssyncset.done $0x0  }
0x32: {  	s25 =	sadd.s32 $0x800, s22;
	[sflag:s24] =	ssyncadd.s32 $0xFFFFC000  }
0x33: {  	[hbm4b:s25+s4] =	stream.linear.scatter [tilespmem:s20], [sflag:$0x4], $0x4000, $0x38;
	[tilespmem:$0x1F840] =	vst v63  }
0x34: {  	_ =	swait.ge [sflag:s14], $0x4000  }
0x35: {  	[sflag:s14] =	ssyncset.done $0x0  }
0x36: {  	s26 =	simm.s32 $0x8180;
	[sflag:s14] =	ssyncadd.s32 $0xFFFFC000  }
0x37: {  	[tilespmem:s20], [sflag:$0x2] =	stream.indirect.gather [hbm4b:s1+s17], $0x80, s26, s17, $0xb8;
	[tilespmem:$0x1F840] =	vst v63  }
0x38: {  	_ =	swait.ge [sflag:s21], $0x4000  }
0x39: {  	[sflag:s21] =	ssyncset.done $0x0  }
0x3a: {  	s28 =	sadd.s32 $0x1000, s22;
	[sflag:s21] =	ssyncadd.s32 $0xFFFFC000  }
0x3b: {  	[hbm4b:s28+s4] =	stream.linear.scatter [tilespmem:s18], [sflag:$0x4], $0x4000, $0x38;
	[tilespmem:$0x1F840] =	vst v63  }
0x3c: {  	_ =	swait.ge [sflag:s14], $0x4000  }
0x3d: {  	[sflag:s14] =	ssyncset.done $0x0  }
0x3e: {  	[sflag:s14] =	ssyncadd.s32 $0xFFFFC000  }
0x3f: {  	_ =	swait.ge [sflag:s24], $0x4000  }
0x40: {  	s6 =	ssub.s32 $0x2, s30;
	[sflag:s24] =	ssyncset.done $0x0  }
0x41: {  	s29 =	sadd.s32 $0x1800, s22;
	s31 =	sshrl.u32 s6, $0x1;
	[sflag:s24] =	ssyncadd.s32 $0xFFFFC000  }
0x42: {  	[hbm4b:s29+s4] =	stream.linear.scatter [tilespmem:s20], [sflag:$0x4], $0x4000, $0x38;
	[tilespmem:$0x1F840] =	vst v63  }
0x43: {  	s2 =	ssub.s32 s6, s31;
	_ =	swait.ge [sflag:s14], $0x4000  }
0x44: {  	s2 =	smax.u32 s2, $0x1;
	[sflag:s14] =	ssyncset.done $0x0  }
0x45: {  	s30 =	simm.s32 $0x3;
	s2 =	sadd.s32 $0xFFFFFFFF, s2;
	[sflag:s14] =	ssyncadd.s32 $0xFFFFC000  }
0x46: {  	p1 =	sne.s32 s2, $0x0;
	_ =	swait.ge [sflag:s30], $0x200  }
.Ltmp0:
0x47: {  	[sflag:s30] =	ssyncset.done $0x0;
	s6 =	rddreg [dreg:$0xb];
	(pc) =	sbr.rel @!p1 .LBB2_2-.Ltmp0, $4  }
0x48: {  	s0 =	rddreg [dreg:$0x5]  }
0x49: {  	[sflag:s30] =	ssyncadd.s32 $0xFFFFFE00;
	s31 =	sadd.s32 s0, s6  }
0x4a: {  	[hbm4b:s31+s4] =	stream.linear.scatter [tilespmem:s16], [sflag:$0x4], $0x200, $0x38;
	[tilespmem:$0x1F840] =	vst v63  }
0x4b: {  	_ =	swait.ge [sflag:s14], $0x200  }
.LBB2_1:
0x4c: {  	[sflag:s14] =	ssyncset.done $0x0  }
0x4d: {  	s0 =	rddreg [dreg:$0xa];
	s6 =	simm.s32 @p0 $0x0;
	[sflag:s14] =	ssyncadd.s32 $0xFFFFFE00  }
0x4e: {  	[tilespmem:s5], [sflag:$0x4] =	stream.linear.gather @p0 [hbm4b:s0+s6], $0x200, $0x38;
	[tilespmem:$0x1F840] =	vst v63  }
0x4f: {  	_ =	swait.ge @p0 [sflag:s7], $0x200  }
0x50: {  	[sflag:s7] =	ssyncset.done @p0 $0x0  }
0x51: {  	[sflag:s7] =	ssyncadd.s32 @p0 $0xFFFFFE00  }
0x52: {  	s6 =	rddreg [dreg:$0x0]  }
0x53: {  	[tilespmem:s8], [sflag:$0x1] =	stream.linear.gather @!p0 [hbm4b:s6+s8], $0x4000, $0x38;
	[tilespmem:$0x1F840] =	vst v63  }
0x54: {  	s0 =	rddreg [dreg:$0x8]  }
0x55: {  	[tilespmem:s9], [sflag:$0x2] =	stream.linear.gather @!p0 [hbm4b:s0+s8], $0x4000, $0x38;
	[tilespmem:$0x1F840] =	vst v63  }
0x56: {  	_ =	swait.ge @!p0 [sflag:s10], $0x4000  }
0x57: {  	[sflag:s10] =	ssyncset.done @!p0 $0x0  }
0x58: {  	[sflag:s10] =	ssyncadd.s32 @!p0 $0xFFFFC000  }
0x59: {  	_ =	swait.ge @!p0 [sflag:s11], $0x4000  }
0x5a: {  	[sflag:s11] =	ssyncset.done @!p0 $0x0  }
0x5b: {  	[sflag:s11] =	ssyncadd.s32 @!p0 $0xFFFFC000  }
0x5c: {  	[spmem:s3] =	stream.indirect.scatter @!p0 [tilespmem:s9], [sflag:$0x4], $0x1, s8, s9, $0xb8;
	[tilespmem:$0x1F840] =	vst v63  }
0x5d: {  	_ =	swait.ge @!p0 [sflag:s12], $0x4000  }
0x5e: {  	[sflag:s12] =	ssyncset.done @!p0 $0x0  }
0x5f: {  	[sflag:s12] =	ssyncadd.s32 @!p0 $0xFFFFC000  }
0x60: {  	[bflag:$0x0] =	sbarrier.arrive $0xFFFF  }
0x61: {  	[tilespmem:s15], [sflag:$0x4] =	stream.indirect.gather [spmem:s3], $0x1, s5, s13, $0xb8;
	[tilespmem:$0x1F840] =	vst v63  }
0x62: {  	_ =	swait.ge [sflag:s14], $0x200  }
0x63: {  	[sflag:s14] =	ssyncset.done $0x0  }
0x64: {  	s6 =	rddreg [dreg:$0x9];
	[sflag:s14] =	ssyncadd.s32 $0xFFFFFE00  }
0x65: {  	[tilespmem:s16], [sflag:$0x3] =	stream.indirect.gather [hbm4b:s6+s13], $0x1, s15, s13, $0xb8;
	[tilespmem:$0x1F840] =	vst v63  }
0x66: {  	_ = 	snop  }
0x67: {  	[tilespmem:s18], [sflag:$0x1] =	stream.indirect.gather [hbm4b:s1+s17], $0x80, s15, s17, $0xb8;
	[tilespmem:$0x1F840] =	vst v63  }
0x68: {  	_ = 	snop  }
0x69: {  	[tilespmem:s20], [sflag:$0x2] =	stream.indirect.gather [hbm4b:s1+s17], $0x80, s19, s17, $0xb8;
	[tilespmem:$0x1F840] =	vst v63  }
0x6a: {  	_ =	swait.ge [sflag:s21], $0x4000  }
0x6b: {  	[sflag:s21] =	ssyncset.done $0x0  }
0x6c: {  	[sflag:s21] =	ssyncadd.s32 $0xFFFFC000  }
0x6d: {  	[hbm4b:s22+s4] =	stream.linear.scatter [tilespmem:s18], [sflag:$0x4], $0x4000, $0x38;
	[tilespmem:$0x1F840] =	vst v63  }
0x6e: {  	_ =	swait.ge [sflag:s14], $0x4000  }
0x6f: {  	[sflag:s14] =	ssyncset.done $0x0  }
0x70: {  	[sflag:s14] =	ssyncadd.s32 $0xFFFFC000  }
0x71: {  	[tilespmem:s18], [sflag:$0x1] =	stream.indirect.gather [hbm4b:s1+s17], $0x80, s23, s17, $0xb8;
	[tilespmem:$0x1F840] =	vst v63  }
0x72: {  	_ =	swait.ge [sflag:s24], $0x4000  }
0x73: {  	[sflag:s24] =	ssyncset.done $0x0  }
0x74: {  	[sflag:s24] =	ssyncadd.s32 $0xFFFFC000  }
0x75: {  	[hbm4b:s25+s4] =	stream.linear.scatter [tilespmem:s20], [sflag:$0x4], $0x4000, $0x38;
	[tilespmem:$0x1F840] =	vst v63  }
0x76: {  	_ =	swait.ge [sflag:s14], $0x4000  }
0x77: {  	[sflag:s14] =	ssyncset.done $0x0  }
0x78: {  	[sflag:s14] =	ssyncadd.s32 $0xFFFFC000  }
0x79: {  	[tilespmem:s20], [sflag:$0x2] =	stream.indirect.gather [hbm4b:s1+s17], $0x80, s26, s17, $0xb8;
	[tilespmem:$0x1F840] =	vst v63  }
0x7a: {  	_ =	swait.ge [sflag:s21], $0x4000  }
0x7b: {  	[sflag:s21] =	ssyncset.done $0x0  }
0x7c: {  	[sflag:s21] =	ssyncadd.s32 $0xFFFFC000  }
0x7d: {  	[hbm4b:s28+s4] =	stream.linear.scatter [tilespmem:s18], [sflag:$0x4], $0x4000, $0x38;
	[tilespmem:$0x1F840] =	vst v63  }
0x7e: {  	_ =	swait.ge [sflag:s14], $0x4000  }
0x7f: {  	[sflag:s14] =	ssyncset.done $0x0  }
0x80: {  	[sflag:s14] =	ssyncadd.s32 $0xFFFFC000  }
0x81: {  	_ =	swait.ge [sflag:s24], $0x4000  }
0x82: {  	[sflag:s24] =	ssyncset.done $0x0  }
0x83: {  	[sflag:s24] =	ssyncadd.s32 $0xFFFFC000  }
0x84: {  	[hbm4b:s29+s4] =	stream.linear.scatter [tilespmem:s20], [sflag:$0x4], $0x4000, $0x38;
	[tilespmem:$0x1F840] =	vst v63  }
0x85: {  	_ =	swait.ge [sflag:s14], $0x4000  }
0x86: {  	s2 =	sadd.s32 $0xFFFFFFFF, s2;
	[sflag:s14] =	ssyncset.done $0x0  }
0x87: {  	p1 =	sne.s32 s2, $0x0;
	[sflag:s14] =	ssyncadd.s32 $0xFFFFC000  }
.Ltmp1:
0x88: {  	_ =	swait.ge [sflag:s30], $0x200;
	(pc) =	sbr.rel @p1 .LBB2_1-.Ltmp1, $4  }
0x89: {  	[sflag:s30] =	ssyncset.done $0x0  }
0x8a: {  	[sflag:s30] =	ssyncadd.s32 $0xFFFFFE00  }
0x8b: {  	[hbm4b:s31+s4] =	stream.linear.scatter [tilespmem:s16], [sflag:$0x4], $0x200, $0x38;
	[tilespmem:$0x1F840] =	vst v63  }
0x8c: {  	_ =	swait.ge [sflag:s14], $0x200  }
.LBB2_2:
0x8d: {  	[sflag:s14] =	ssyncset.done $0x0  }
0x8e: {  	[sflag:s14] =	ssyncadd.s32 $0xFFFFFE00  }
0x8f: {  	_ =	sfence.sel $0x180000  }
0x90: {  	[bflag:$0x0] =	sbarrier.arrive $0xFFFF  }
0x91: {  	_ =	strace $0x90000047  }
0x92: {  	[bflag:$0x2] =	sbarrier.arrive $0xFFFF  }
0x93: {  	s0 =	rddreg [dreg:$0x7]  }
0x94: {  	s0 =	sadd.s32 @!p0 $0x100000, s0  }
0x95: {  	[sflag:s0] =	ssyncadd.tile.s32 @!p0 $0x1;
	_ =	shalt  }
.Lfunc_end2:
_tile_overlayer_lowered:
.L_overlay_start_2:
0x96: {  	(tag) =	ssettag $0x2  }
0x97: {  	s0 =	rddreg [dreg:$0x0];
	s2 =	stileid.u32  }
0x98: {  	s1 =	rddreg [dreg:$0x1];
	p0 =	sne.s32 s2, $0x0  }
0x99: {  	s3 =	rddreg [dreg:$0x2];
	[bflag:$0x3] =	sbarrier.arrive $0xFFFF;
	s2 =	simm.s32 @!p0 $0x1C04  }
0x9a: {  	[timem:s3], [sflag:s2] =	dma.local @!p0 [hbm:s0], s1  }
0x9b: {  	s0 =	simm.s32 @!p0 $0x4  }
0x9c: {  	_ =	swait.ge @!p0 [sflag:s0], s1  }
0x9d: {  	s1 =	ssub.s32 @!p0 $0x0, s1;
	[sflag:s0] =	ssyncset.done @!p0 $0x0  }
0x9e: {  	[sflag:s0] =	ssyncadd.s32 @!p0 s1  }
0x9f: {  	[bflag:$0x3] =	sbarrier.arrive $0xFFFF  }
0xa0: {  	_ =	shalt  }

</sc_bundles>
